<compile_context>
chip_gen: v7x
topology: tpu7x:2x2x1
jax: 0.10.2.dev20260603
libtpu: 0.0.44.dev20260713+nightly
codegen_flags: <defaults>
</compile_context>

<pallas_src>
import functools

import jax
import jax.numpy as jnp
from jax import lax
from jax.experimental import pallas as pl
from jax.experimental.pallas import tpu as pltpu
from jax.experimental.pallas import tpu_sc as plsc

NUM_FRAMES = 8
N = 1024
BATCH = 1024
N_SELECTED = 128
NBR = 32

_NC = 2
_NS = 16
_NW = _NC * _NS


@functools.cache
def _mesh():
    return plsc.VectorSubcoreMesh(
        core_axis_name="c", subcore_axis_name="s", num_cores=_NC, num_subcores=_NS
    )


def _tc_chain_body(sel_ref, bias_ref, w_hbm, out_ref, wv, sems):
    for f in range(NUM_FRAMES - 1):
        pltpu.make_async_copy(w_hbm.at[f], wv.at[f], sems.at[f]).start()

    fr = lax.broadcasted_iota(jnp.int32, (NUM_FRAMES, N), 0)
    ln = lax.broadcasted_iota(jnp.int32, (NUM_FRAMES, N), 1)
    flat = fr * N + ln

    def mk(i, z):
        s = sel_ref[0, i]
        return jnp.where(flat == s, 0.0, z)

    z = lax.fori_loop(0, N_SELECTED, mk, jnp.ones((NUM_FRAMES, N), jnp.float32))

    e = [None] * NUM_FRAMES
    e[0] = z[0:1] * bias_ref[0:1]
    for f in range(1, NUM_FRAMES):
        pltpu.make_async_copy(w_hbm.at[f - 1], wv.at[f - 1], sems.at[f - 1]).wait()
        mv = lax.dot_general(
            e[f - 1], wv[f - 1], (((1,), (1,)), ((), ())),
            preferred_element_type=jnp.float32,
        )
        e[f] = z[f:f + 1] * (bias_ref[f:f + 1] + mv)

    h = [None] * NUM_FRAMES
    h[NUM_FRAMES - 1] = jnp.ones((1, N), jnp.float32)
    for f in range(NUM_FRAMES - 2, -1, -1):
        x = z[f + 1:f + 2] * h[f + 1]
        mv = lax.dot_general(
            x, wv[f], (((1,), (0,)), ((), ())),
            preferred_element_type=jnp.float32,
        )
        h[f] = 1.0 + mv

    ee = jnp.concatenate(e, axis=0)
    hh = jnp.concatenate(h, axis=0)
    out_ref[...] = jnp.sum(ee) - ee * hh


def _tc_chain(sel_i32, biases, weights):
    return pl.pallas_call(
        _tc_chain_body,
        in_specs=[
            pl.BlockSpec(memory_space=pltpu.SMEM),
            pl.BlockSpec(memory_space=pltpu.VMEM),
            pl.BlockSpec(memory_space=pl.ANY),
        ],
        out_specs=pl.BlockSpec(memory_space=pltpu.VMEM),
        out_shape=jax.ShapeDtypeStruct((NUM_FRAMES, N), jnp.float32),
        scratch_shapes=[
            pltpu.VMEM((NUM_FRAMES - 1, N, N), jnp.float32),
            pltpu.SemaphoreType.DMA((NUM_FRAMES - 1,)),
        ],
    )(sel_i32, biases, weights)


_B_PER_W = BATCH // _NW


@functools.cache
def _sc_gather():
    @functools.partial(
        pl.kernel,
        mesh=_mesh(),
        out_type=jax.ShapeDtypeStruct((BATCH,), jnp.float32),
        scratch_types=[
            pltpu.VMEM((_B_PER_W,), jnp.int32),
            pltpu.VMEM((_B_PER_W,), jnp.float32),
            pltpu.SemaphoreType.DMA,
        ],
        compiler_params=pltpu.CompilerParams(needs_layout_passes=False),
    )
    def body(table_hbm, idx_hbm, out_hbm, idx_v, vals_v, sem):
        wid = lax.axis_index("s") * _NC + lax.axis_index("c")
        base = wid * _B_PER_W
        pltpu.sync_copy(idx_hbm.at[pl.ds(base, _B_PER_W)], idx_v)
        pltpu.async_copy(table_hbm.at[idx_v], vals_v, sem).wait()
        pltpu.sync_copy(vals_v, out_hbm.at[pl.ds(base, _B_PER_W)])

    return body


def kernel(weights, biases, selected_anchor_points, candidate_anchor_points):
    sel = selected_anchor_points.astype(jnp.int32)
    cand = candidate_anchor_points.astype(jnp.int32)
    sel_flat = (sel[:, 0] * N + sel[:, 1] * NBR + sel[:, 2]).reshape(1, N_SELECTED)
    cand_flat = cand[:, 0] * N + cand[:, 1] * NBR + cand[:, 2]

    table = _tc_chain(sel_flat, biases, weights)
    return _sc_gather()(table.reshape(NUM_FRAMES * N), cand_flat)

# --- scband reference (transcript-rebuilt; emitter-appended) ---
"""Pipeline reference for scband-estimator-network-67087389164230 (READ-ONLY COPY).

The authoritative reference and input builder live on the scoring server;
editing this copy changes nothing except your own understanding.
"""

import jax, jax.numpy as jnp
import numpy as np

NUM_FRAMES = 8
NUM_BLOCKS_PER_ROW = 32
NUM_BLOCKS_PER_COLUMN = 32
N = NUM_BLOCKS_PER_ROW * NUM_BLOCKS_PER_COLUMN
BATCH = 1024
N_SELECTED = 128


def setup_inputs(seed: int = 0) -> dict:
    key = jax.random.key(seed)
    k1, k2, k3, k4, k5 = jax.random.split(key, 5)
    weights = jax.random.normal(k1, (NUM_FRAMES - 1, N, N), dtype=jnp.float32) * 0.02
    mask = (jax.random.uniform(k5, (NUM_FRAMES - 1, N, N)) < 0.05).astype(jnp.float32)
    weights = weights * mask  # ~5% density, mirrors to_sparse() weights in torch
    biases = jax.random.normal(k2, (NUM_FRAMES, N), dtype=jnp.float32)
    selected_anchor_points = jax.random.randint(k3, (N_SELECTED, 3), 0, 8).astype(jnp.int64)
    candidate_anchor_points = jax.random.randint(k4, (BATCH, 3), 0, 8).astype(jnp.int64)
    return {
        "weights": weights,
        "biases": biases,
        "selected_anchor_points": selected_anchor_points,
        "candidate_anchor_points": candidate_anchor_points,
    }


def reference(weights, biases, selected_anchor_points, candidate_anchor_points):
    B = candidate_anchor_points.shape[0]
    batch_idx = jnp.arange(B)
    sel_frame = selected_anchor_points[:, 0]
    sel_pos = selected_anchor_points[:, 1] * NUM_BLOCKS_PER_ROW + selected_anchor_points[:, 2]
    cand_frame = candidate_anchor_points[:, 0]
    cand_pos = candidate_anchor_points[:, 1] * NUM_BLOCKS_PER_ROW + candidate_anchor_points[:, 2]

    sum_values = jnp.zeros((B,), dtype=jnp.float32)
    prev_error = None
    for f in range(NUM_FRAMES):
        # bias broadcast to batch (torch: squeeze + repeat)
        current_error = jnp.broadcast_to(biases[f][None, :], (B, N)).astype(jnp.float32)
        if f > 0:
            # torch.sparse.mm(W, prev.t()).t() == prev @ W.T
            current_error = current_error + (weights[f - 1] @ prev_error.T).T
        # zero selected anchor columns belonging to this frame (scatter over full batch column)
        col_hit = jnp.zeros((N,), dtype=jnp.float32).at[sel_pos].add((sel_frame == f).astype(jnp.float32))
        current_error = jnp.where(col_hit[None, :] > 0, 0.0, current_error)
        # zero per-batch candidate anchor entries (gather + scatter-overwrite)
        gathered = current_error[batch_idx, cand_pos]
        new_vals = jnp.where(cand_frame == f, 0.0, gathered)
        current_error = current_error.at[batch_idx, cand_pos].set(new_vals)
        # no alternative_reference_frame in this config -> all frames summed
        sum_values = sum_values + jnp.sum(current_error, axis=1)
        prev_error = current_error
    return sum_values

if __name__ == "__main__":
    import jax
    _d = setup_inputs()
    print(jax.jit(kernel)(*tuple(_d.values())))

</pallas_src>

<mosaic_0001>
#map = affine_map<(d0, d1) -> (0)>
module attributes {stable_mosaic.version = 14 : i64} {
  func.func @body(%arg0: i32, %arg1: i32, %arg2: memref<8192xf32, #tpu.memory_space<hbm>>, %arg3: memref<1024xi32, #tpu.memory_space<hbm>>, %arg4: memref<1024xf32, #tpu.memory_space<hbm>>, %arg5: memref<32xi32, #tpu.memory_space<vmem>>, %arg6: memref<32xf32, #tpu.memory_space<vmem>>, %arg7: memref<!tpu.dma_semaphore, #tpu.memory_space<semaphore_mem>>) attributes {dimension_semantics = [#tpu.dimension_semantics<core_parallel>, #tpu.dimension_semantics<subcore_parallel>], iteration_bounds = array<i64: 2, 16>, scalar_prefetch = 0 : i64, scratch_operands = 3 : i64, tpu.core_type = #tpu.core_type<sc_vector_subcore>, window_params = [{transform_indices = #map}, {transform_indices = #map}, {transform_indices = #map}]} {
    %mul3A = arith.constant 2 : i32
    %mul3A_0 = arith.muli %arg1, %mul3A : i32
    %add3A = arith.addi %mul3A_0, %arg0 : i32
    %mul3A_1 = arith.constant 32 : i32
    %mul3A_2 = arith.muli %add3A, %mul3A_1 : i32
    "tpu.region"() ({
      %run_scoped3A = tpu.sem_alloc : memref<!tpu.dma_semaphore, #tpu.memory_space<semaphore_mem>>
      %dma_start3A_5 = tpu.memref_slice %arg3[%mul3A_2] : memref<1024xi32, #tpu.memory_space<hbm>> -> memref<32xi32, #tpu.memory_space<hbm>>
      %dma_start3A_6 = tpu.memref_slice %arg3[%mul3A_2] : memref<1024xi32, #tpu.memory_space<hbm>> -> memref<32xi32, #tpu.memory_space<hbm>>
      tpu.enqueue_dma source(%dma_start3A_6 : memref<32xi32, #tpu.memory_space<hbm>>) target(%arg5 : memref<32xi32, #tpu.memory_space<vmem>>) target_semaphore(%run_scoped3A : memref<!tpu.dma_semaphore, #tpu.memory_space<semaphore_mem>>)
      %dma_wait3A_7 = tpu.memref_slice %arg3[%mul3A_2] : memref<1024xi32, #tpu.memory_space<hbm>> -> memref<32xi32, #tpu.memory_space<hbm>>
      %dma_wait3A_8 = tpu.memref_slice %arg3[%mul3A_2] : memref<1024xi32, #tpu.memory_space<hbm>> -> memref<32xi32, #tpu.memory_space<hbm>>
      tpu.wait_dma2 semaphore(%run_scoped3A : memref<!tpu.dma_semaphore, #tpu.memory_space<semaphore_mem>>) src(%dma_wait3A_8 : memref<32xi32, #tpu.memory_space<hbm>>) dst(%arg5 : memref<32xi32, #tpu.memory_space<vmem>>)
      tpu.yield
    }) : () -> ()
    %dma_start3A = arith.constant 0 : i32
    %dma_start3A_3 = tpu.memref_slice %arg2[%dma_start3A] : memref<8192xf32, #tpu.memory_space<hbm>> -> memref<8192xf32, #tpu.memory_space<hbm>>
    tpu.enqueue_indirect_dma source(%dma_start3A_3 : memref<8192xf32, #tpu.memory_space<hbm>>) target(%arg6 : memref<32xf32, #tpu.memory_space<vmem>>) offsets(%arg5 : memref<32xi32, #tpu.memory_space<vmem>>) semaphore(%arg7 : memref<!tpu.dma_semaphore, #tpu.memory_space<semaphore_mem>>)
    %dma_wait3A = arith.constant 0 : i32
    %dma_wait3A_4 = tpu.memref_slice %arg2[%dma_wait3A] : memref<8192xf32, #tpu.memory_space<hbm>> -> memref<8192xf32, #tpu.memory_space<hbm>>
    tpu.wait_indirect_dma semaphore(%arg7 : memref<!tpu.dma_semaphore, #tpu.memory_space<semaphore_mem>>) src(%dma_wait3A_4 : memref<8192xf32, #tpu.memory_space<hbm>>) dst(%arg6 : memref<32xf32, #tpu.memory_space<vmem>>)
    "tpu.region"() ({
      %run_scoped3A = tpu.sem_alloc : memref<!tpu.dma_semaphore, #tpu.memory_space<semaphore_mem>>
      %dma_start3A_5 = tpu.memref_slice %arg4[%mul3A_2] : memref<1024xf32, #tpu.memory_space<hbm>> -> memref<32xf32, #tpu.memory_space<hbm>>
      %dma_start3A_6 = tpu.memref_slice %arg4[%mul3A_2] : memref<1024xf32, #tpu.memory_space<hbm>> -> memref<32xf32, #tpu.memory_space<hbm>>
      tpu.enqueue_dma source(%arg6 : memref<32xf32, #tpu.memory_space<vmem>>) target(%dma_start3A_6 : memref<32xf32, #tpu.memory_space<hbm>>) target_semaphore(%run_scoped3A : memref<!tpu.dma_semaphore, #tpu.memory_space<semaphore_mem>>)
      %dma_wait3A_7 = tpu.memref_slice %arg4[%mul3A_2] : memref<1024xf32, #tpu.memory_space<hbm>> -> memref<32xf32, #tpu.memory_space<hbm>>
      %dma_wait3A_8 = tpu.memref_slice %arg4[%mul3A_2] : memref<1024xf32, #tpu.memory_space<hbm>> -> memref<32xf32, #tpu.memory_space<hbm>>
      tpu.wait_dma2 semaphore(%run_scoped3A : memref<!tpu.dma_semaphore, #tpu.memory_space<semaphore_mem>>) src(%arg6 : memref<32xf32, #tpu.memory_space<vmem>>) dst(%dma_wait3A_8 : memref<32xf32, #tpu.memory_space<hbm>>)
      tpu.yield
    }) : () -> ()
    return
  }
}

module attributes {stable_mosaic.version = 14 : i64} {
  func.func @_tc_chain_body(%arg0: memref<1x128xi32, #tpu.memory_space<smem>>, %arg1: memref<8x1024xf32, #tpu.memory_space<vmem>>, %arg2: memref<7x1024x1024xf32, #tpu.memory_space<any>>, %arg3: memref<8x1024xf32, #tpu.memory_space<vmem>>, %arg4: memref<7x1024x1024xf32, #tpu.memory_space<vmem>>, %arg5: memref<7x!tpu.dma_semaphore, #tpu.memory_space<semaphore_mem>>) attributes {dimension_semantics = [], scalar_prefetch = 0 : i64, scratch_operands = 2 : i64, tpu.core_type = #tpu.core_type<tc>} {
    %dma_start3A = arith.constant 0 : i32
    %dma_start3A_0 = arith.constant 0 : i32
    %dma_start3A_1 = arith.constant 0 : i32
    %dma_start3A_2 = tpu.memref_slice %arg5[%dma_start3A_1] : memref<7x!tpu.dma_semaphore, #tpu.memory_space<semaphore_mem>> -> memref<1x!tpu.dma_semaphore, #tpu.memory_space<semaphore_mem>>
    %dma_start3A_3 = tpu.memref_squeeze %dma_start3A_2 : memref<1x!tpu.dma_semaphore, #tpu.memory_space<semaphore_mem>> -> memref<!tpu.dma_semaphore, #tpu.memory_space<semaphore_mem>>
    %dma_start3A_4 = arith.constant 0 : i32
    %dma_start3A_5 = arith.constant 0 : i32
    %dma_start3A_6 = tpu.memref_slice %arg4[%dma_start3A_0, %dma_start3A_4, %dma_start3A_5] : memref<7x1024x1024xf32, #tpu.memory_space<vmem>> -> memref<1x1024x1024xf32, #tpu.memory_space<vmem>>
    %dma_start3A_7 = tpu.memref_squeeze %dma_start3A_6 : memref<1x1024x1024xf32, #tpu.memory_space<vmem>> -> memref<1024x1024xf32, #tpu.memory_space<vmem>>
    %dma_start3A_8 = arith.constant 0 : i32
    %dma_start3A_9 = arith.constant 0 : i32
    %dma_start3A_10 = tpu.memref_slice %arg2[%dma_start3A, %dma_start3A_8, %dma_start3A_9] : memref<7x1024x1024xf32, #tpu.memory_space<any>> -> memref<1x1024x1024xf32, #tpu.memory_space<any>>
    %dma_start3A_11 = tpu.memref_squeeze %dma_start3A_10 : memref<1x1024x1024xf32, #tpu.memory_space<any>> -> memref<1024x1024xf32, #tpu.memory_space<any>>
    tpu.enqueue_dma source(%dma_start3A_11 : memref<1024x1024xf32, #tpu.memory_space<any>>) target(%dma_start3A_7 : memref<1024x1024xf32, #tpu.memory_space<vmem>>) target_semaphore(%dma_start3A_3 : memref<!tpu.dma_semaphore, #tpu.memory_space<semaphore_mem>>)
    %dma_start3A_12 = arith.constant 1 : i32
    %dma_start3A_13 = arith.constant 1 : i32
    %dma_start3A_14 = arith.constant 1 : i32
    %dma_start3A_15 = tpu.memref_slice %arg5[%dma_start3A_14] : memref<7x!tpu.dma_semaphore, #tpu.memory_space<semaphore_mem>> -> memref<1x!tpu.dma_semaphore, #tpu.memory_space<semaphore_mem>>
    %dma_start3A_16 = tpu.memref_squeeze %dma_start3A_15 : memref<1x!tpu.dma_semaphore, #tpu.memory_space<semaphore_mem>> -> memref<!tpu.dma_semaphore, #tpu.memory_space<semaphore_mem>>
    %dma_start3A_17 = arith.constant 0 : i32
    %dma_start3A_18 = arith.constant 0 : i32
    %dma_start3A_19 = tpu.memref_slice %arg4[%dma_start3A_13, %dma_start3A_17, %dma_start3A_18] : memref<7x1024x1024xf32, #tpu.memory_space<vmem>> -> memref<1x1024x1024xf32, #tpu.memory_space<vmem>>
    %dma_start3A_20 = tpu.memref_squeeze %dma_start3A_19 : memref<1x1024x1024xf32, #tpu.memory_space<vmem>> -> memref<1024x1024xf32, #tpu.memory_space<vmem>>
    %dma_start3A_21 = arith.constant 0 : i32
    %dma_start3A_22 = arith.constant 0 : i32
    %dma_start3A_23 = tpu.memref_slice %arg2[%dma_start3A_12, %dma_start3A_21, %dma_start3A_22] : memref<7x1024x1024xf32, #tpu.memory_space<any>> -> memref<1x1024x1024xf32, #tpu.memory_space<any>>
    %dma_start3A_24 = tpu.memref_squeeze %dma_start3A_23 : memref<1x1024x1024xf32, #tpu.memory_space<any>> -> memref<1024x1024xf32, #tpu.memory_space<any>>
    tpu.enqueue_dma source(%dma_start3A_24 : memref<1024x1024xf32, #tpu.memory_space<any>>) target(%dma_start3A_20 : memref<1024x1024xf32, #tpu.memory_space<vmem>>) target_semaphore(%dma_start3A_16 : memref<!tpu.dma_semaphore, #tpu.memory_space<semaphore_mem>>)
    %dma_start3A_25 = arith.constant 2 : i32
    %dma_start3A_26 = arith.constant 2 : i32
    %dma_start3A_27 = arith.constant 2 : i32
    %dma_start3A_28 = tpu.memref_slice %arg5[%dma_start3A_27] : memref<7x!tpu.dma_semaphore, #tpu.memory_space<semaphore_mem>> -> memref<1x!tpu.dma_semaphore, #tpu.memory_space<semaphore_mem>>
    %dma_start3A_29 = tpu.memref_squeeze %dma_start3A_28 : memref<1x!tpu.dma_semaphore, #tpu.memory_space<semaphore_mem>> -> memref<!tpu.dma_semaphore, #tpu.memory_space<semaphore_mem>>
    %dma_start3A_30 = arith.constant 0 : i32
    %dma_start3A_31 = arith.constant 0 : i32
    %dma_start3A_32 = tpu.memref_slice %arg4[%dma_start3A_26, %dma_start3A_30, %dma_start3A_31] : memref<7x1024x1024xf32, #tpu.memory_space<vmem>> -> memref<1x1024x1024xf32, #tpu.memory_space<vmem>>
    %dma_start3A_33 = tpu.memref_squeeze %dma_start3A_32 : memref<1x1024x1024xf32, #tpu.memory_space<vmem>> -> memref<1024x1024xf32, #tpu.memory_space<vmem>>
    %dma_start3A_34 = arith.constant 0 : i32
    %dma_start3A_35 = arith.constant 0 : i32
    %dma_start3A_36 = tpu.memref_slice %arg2[%dma_start3A_25, %dma_start3A_34, %dma_start3A_35] : memref<7x1024x1024xf32, #tpu.memory_space<any>> -> memref<1x1024x1024xf32, #tpu.memory_space<any>>
    %dma_start3A_37 = tpu.memref_squeeze %dma_start3A_36 : memref<1x1024x1024xf32, #tpu.memory_space<any>> -> memref<1024x1024xf32, #tpu.memory_space<any>>
    tpu.enqueue_dma source(%dma_start3A_37 : memref<1024x1024xf32, #tpu.memory_space<any>>) target(%dma_start3A_33 : memref<1024x1024xf32, #tpu.memory_space<vmem>>) target_semaphore(%dma_start3A_29 : memref<!tpu.dma_semaphore, #tpu.memory_space<semaphore_mem>>)
    %dma_start3A_38 = arith.constant 3 : i32
    %dma_start3A_39 = arith.constant 3 : i32
    %dma_start3A_40 = arith.constant 3 : i32
    %dma_start3A_41 = tpu.memref_slice %arg5[%dma_start3A_40] : memref<7x!tpu.dma_semaphore, #tpu.memory_space<semaphore_mem>> -> memref<1x!tpu.dma_semaphore, #tpu.memory_space<semaphore_mem>>
    %dma_start3A_42 = tpu.memref_squeeze %dma_start3A_41 : memref<1x!tpu.dma_semaphore, #tpu.memory_space<semaphore_mem>> -> memref<!tpu.dma_semaphore, #tpu.memory_space<semaphore_mem>>
    %dma_start3A_43 = arith.constant 0 : i32
    %dma_start3A_44 = arith.constant 0 : i32
    %dma_start3A_45 = tpu.memref_slice %arg4[%dma_start3A_39, %dma_start3A_43, %dma_start3A_44] : memref<7x1024x1024xf32, #tpu.memory_space<vmem>> -> memref<1x1024x1024xf32, #tpu.memory_space<vmem>>
    %dma_start3A_46 = tpu.memref_squeeze %dma_start3A_45 : memref<1x1024x1024xf32, #tpu.memory_space<vmem>> -> memref<1024x1024xf32, #tpu.memory_space<vmem>>
    %dma_start3A_47 = arith.constant 0 : i32
    %dma_start3A_48 = arith.constant 0 : i32
    %dma_start3A_49 = tpu.memref_slice %arg2[%dma_start3A_38, %dma_start3A_47, %dma_start3A_48] : memref<7x1024x1024xf32, #tpu.memory_space<any>> -> memref<1x1024x1024xf32, #tpu.memory_space<any>>
    %dma_start3A_50 = tpu.memref_squeeze %dma_start3A_49 : memref<1x1024x1024xf32, #tpu.memory_space<any>> -> memref<1024x1024xf32, #tpu.memory_space<any>>
    tpu.enqueue_dma source(%dma_start3A_50 : memref<1024x1024xf32, #tpu.memory_space<any>>) target(%dma_start3A_46 : memref<1024x1024xf32, #tpu.memory_space<vmem>>) target_semaphore(%dma_start3A_42 : memref<!tpu.dma_semaphore, #tpu.memory_space<semaphore_mem>>)
    %dma_start3A_51 = arith.constant 4 : i32
    %dma_start3A_52 = arith.constant 4 : i32
    %dma_start3A_53 = arith.constant 4 : i32
    %dma_start3A_54 = tpu.memref_slice %arg5[%dma_start3A_53] : memref<7x!tpu.dma_semaphore, #tpu.memory_space<semaphore_mem>> -> memref<1x!tpu.dma_semaphore, #tpu.memory_space<semaphore_mem>>
    %dma_start3A_55 = tpu.memref_squeeze %dma_start3A_54 : memref<1x!tpu.dma_semaphore, #tpu.memory_space<semaphore_mem>> -> memref<!tpu.dma_semaphore, #tpu.memory_space<semaphore_mem>>
    %dma_start3A_56 = arith.constant 0 : i32
    %dma_start3A_57 = arith.constant 0 : i32
    %dma_start3A_58 = tpu.memref_slice %arg4[%dma_start3A_52, %dma_start3A_56, %dma_start3A_57] : memref<7x1024x1024xf32, #tpu.memory_space<vmem>> -> memref<1x1024x1024xf32, #tpu.memory_space<vmem>>
    %dma_start3A_59 = tpu.memref_squeeze %dma_start3A_58 : memref<1x1024x1024xf32, #tpu.memory_space<vmem>> -> memref<1024x1024xf32, #tpu.memory_space<vmem>>
    %dma_start3A_60 = arith.constant 0 : i32
    %dma_start3A_61 = arith.constant 0 : i32
    %dma_start3A_62 = tpu.memref_slice %arg2[%dma_start3A_51, %dma_start3A_60, %dma_start3A_61] : memref<7x1024x1024xf32, #tpu.memory_space<any>> -> memref<1x1024x1024xf32, #tpu.memory_space<any>>
    %dma_start3A_63 = tpu.memref_squeeze %dma_start3A_62 : memref<1x1024x1024xf32, #tpu.memory_space<any>> -> memref<1024x1024xf32, #tpu.memory_space<any>>
    tpu.enqueue_dma source(%dma_start3A_63 : memref<1024x1024xf32, #tpu.memory_space<any>>) target(%dma_start3A_59 : memref<1024x1024xf32, #tpu.memory_space<vmem>>) target_semaphore(%dma_start3A_55 : memref<!tpu.dma_semaphore, #tpu.memory_space<semaphore_mem>>)
    %dma_start3A_64 = arith.constant 5 : i32
    %dma_start3A_65 = arith.constant 5 : i32
    %dma_start3A_66 = arith.constant 5 : i32
    %dma_start3A_67 = tpu.memref_slice %arg5[%dma_start3A_66] : memref<7x!tpu.dma_semaphore, #tpu.memory_space<semaphore_mem>> -> memref<1x!tpu.dma_semaphore, #tpu.memory_space<semaphore_mem>>
    %dma_start3A_68 = tpu.memref_squeeze %dma_start3A_67 : memref<1x!tpu.dma_semaphore, #tpu.memory_space<semaphore_mem>> -> memref<!tpu.dma_semaphore, #tpu.memory_space<semaphore_mem>>
    %dma_start3A_69 = arith.constant 0 : i32
    %dma_start3A_70 = arith.constant 0 : i32
    %dma_start3A_71 = tpu.memref_slice %arg4[%dma_start3A_65, %dma_start3A_69, %dma_start3A_70] : memref<7x1024x1024xf32, #tpu.memory_space<vmem>> -> memref<1x1024x1024xf32, #tpu.memory_space<vmem>>
    %dma_start3A_72 = tpu.memref_squeeze %dma_start3A_71 : memref<1x1024x1024xf32, #tpu.memory_space<vmem>> -> memref<1024x1024xf32, #tpu.memory_space<vmem>>
    %dma_start3A_73 = arith.constant 0 : i32
    %dma_start3A_74 = arith.constant 0 : i32
    %dma_start3A_75 = tpu.memref_slice %arg2[%dma_start3A_64, %dma_start3A_73, %dma_start3A_74] : memref<7x1024x1024xf32, #tpu.memory_space<any>> -> memref<1x1024x1024xf32, #tpu.memory_space<any>>
    %dma_start3A_76 = tpu.memref_squeeze %dma_start3A_75 : memref<1x1024x1024xf32, #tpu.memory_space<any>> -> memref<1024x1024xf32, #tpu.memory_space<any>>
    tpu.enqueue_dma source(%dma_start3A_76 : memref<1024x1024xf32, #tpu.memory_space<any>>) target(%dma_start3A_72 : memref<1024x1024xf32, #tpu.memory_space<vmem>>) target_semaphore(%dma_start3A_68 : memref<!tpu.dma_semaphore, #tpu.memory_space<semaphore_mem>>)
    %dma_start3A_77 = arith.constant 6 : i32
    %dma_start3A_78 = arith.constant 6 : i32
    %dma_start3A_79 = arith.constant 6 : i32
    %dma_start3A_80 = tpu.memref_slice %arg5[%dma_start3A_79] : memref<7x!tpu.dma_semaphore, #tpu.memory_space<semaphore_mem>> -> memref<1x!tpu.dma_semaphore, #tpu.memory_space<semaphore_mem>>
    %dma_start3A_81 = tpu.memref_squeeze %dma_start3A_80 : memref<1x!tpu.dma_semaphore, #tpu.memory_space<semaphore_mem>> -> memref<!tpu.dma_semaphore, #tpu.memory_space<semaphore_mem>>
    %dma_start3A_82 = arith.constant 0 : i32
    %dma_start3A_83 = arith.constant 0 : i32
    %dma_start3A_84 = tpu.memref_slice %arg4[%dma_start3A_78, %dma_start3A_82, %dma_start3A_83] : memref<7x1024x1024xf32, #tpu.memory_space<vmem>> -> memref<1x1024x1024xf32, #tpu.memory_space<vmem>>
    %dma_start3A_85 = tpu.memref_squeeze %dma_start3A_84 : memref<1x1024x1024xf32, #tpu.memory_space<vmem>> -> memref<1024x1024xf32, #tpu.memory_space<vmem>>
    %dma_start3A_86 = arith.constant 0 : i32
    %dma_start3A_87 = arith.constant 0 : i32
    %dma_start3A_88 = tpu.memref_slice %arg2[%dma_start3A_77, %dma_start3A_86, %dma_start3A_87] : memref<7x1024x1024xf32, #tpu.memory_space<any>> -> memref<1x1024x1024xf32, #tpu.memory_space<any>>
    %dma_start3A_89 = tpu.memref_squeeze %dma_start3A_88 : memref<1x1024x1024xf32, #tpu.memory_space<any>> -> memref<1024x1024xf32, #tpu.memory_space<any>>
    tpu.enqueue_dma source(%dma_start3A_89 : memref<1024x1024xf32, #tpu.memory_space<any>>) target(%dma_start3A_85 : memref<1024x1024xf32, #tpu.memory_space<vmem>>) target_semaphore(%dma_start3A_81 : memref<!tpu.dma_semaphore, #tpu.memory_space<semaphore_mem>>)
    %iota3A = tpu.iota {dimensions = array<i32: 0>} : vector<8x1024xi32>
    %iota3A_90 = tpu.iota {dimensions = array<i32: 1>} : vector<8x1024xi32>
    %mul3A = arith.constant 1024 : i32
    %mul3A_91 = vector.broadcast %mul3A : i32 to vector<8x1024xi32>
    %mul3A_92 = arith.muli %iota3A, %mul3A_91 : vector<8x1024xi32>
    %add3A = arith.addi %mul3A_92, %iota3A_90 : vector<8x1024xi32>
    %broadcast_in_dim3A = arith.constant 1.000000e+00 : f32
    %broadcast_in_dim3A_93 = vector.broadcast %broadcast_in_dim3A : f32 to vector<8x1024xf32>
    %scan3A = arith.constant 0 : i32
    %scan3A_94 = arith.constant 128 : i32
    %scan3A_95 = arith.addi %scan3A, %scan3A_94 : i32
    %scan3A_96 = arith.constant 1 : i32
    %scan3A_97 = scf.for %scan3A_377 = %scan3A to %scan3A_95 step %scan3A_96 iter_args(%scan3A_378 = %broadcast_in_dim3A_93) -> (vector<8x1024xf32>)  : i32 {
      %get3A_379 = arith.constant 0 : index
      %get3A_380 = arith.index_cast %scan3A_377 : i32 to index
      %get3A_381 = memref.load %arg0[%get3A_379, %get3A_380] : memref<1x128xi32, #tpu.memory_space<smem>>
      %eq3A = vector.broadcast %get3A_381 : i32 to vector<8x1024xi32>
      %eq3A_382 = arith.cmpi eq, %add3A, %eq3A : vector<8x1024xi32>
      %jit3A = arith.constant 0.000000e+00 : f32
      %broadcast_in_dim3A_383 = vector.broadcast %jit3A : f32 to vector<8x1024xf32>
      %select_n3A = arith.select %eq3A_382, %broadcast_in_dim3A_383, %scan3A_378 : vector<8x1024xi1>, vector<8x1024xf32>
      scf.yield %select_n3A : vector<8x1024xf32>
    }
    %scan3A_98 = arith.constant 128 : i32
    %slice3A = vector.extract_strided_slice %scan3A_97 {offsets = [0, 0], sizes = [1, 1024], strides = [1, 1]} : vector<8x1024xf32> to vector<1x1024xf32>
    %get3A = arith.constant 0 : index
    %get3A_99 = arith.constant 0 : index
    %get3A_100 = vector.load %arg1[%get3A, %get3A_99] : memref<8x1024xf32, #tpu.memory_space<vmem>>, vector<1x1024xf32>
    %mul3A_101 = arith.mulf %slice3A, %get3A_100 : vector<1x1024xf32>
    %dma_wait3A = arith.constant 0 : i32
    %dma_wait3A_102 = arith.constant 0 : i32
    %dma_wait3A_103 = arith.constant 0 : i32
    %dma_wait3A_104 = tpu.memref_slice %arg5[%dma_wait3A_103] : memref<7x!tpu.dma_semaphore, #tpu.memory_space<semaphore_mem>> -> memref<1x!tpu.dma_semaphore, #tpu.memory_space<semaphore_mem>>
    %dma_wait3A_105 = tpu.memref_squeeze %dma_wait3A_104 : memref<1x!tpu.dma_semaphore, #tpu.memory_space<semaphore_mem>> -> memref<!tpu.dma_semaphore, #tpu.memory_space<semaphore_mem>>
    %dma_wait3A_106 = arith.constant 0 : i32
    %dma_wait3A_107 = arith.constant 0 : i32
    %dma_wait3A_108 = tpu.memref_slice %arg4[%dma_wait3A_102, %dma_wait3A_106, %dma_wait3A_107] : memref<7x1024x1024xf32, #tpu.memory_space<vmem>> -> memref<1x1024x1024xf32, #tpu.memory_space<vmem>>
    %dma_wait3A_109 = tpu.memref_squeeze %dma_wait3A_108 : memref<1x1024x1024xf32, #tpu.memory_space<vmem>> -> memref<1024x1024xf32, #tpu.memory_space<vmem>>
    %dma_wait3A_110 = arith.constant 0 : i32
    %dma_wait3A_111 = arith.constant 0 : i32
    %dma_wait3A_112 = tpu.memref_slice %arg2[%dma_wait3A, %dma_wait3A_110, %dma_wait3A_111] : memref<7x1024x1024xf32, #tpu.memory_space<any>> -> memref<1x1024x1024xf32, #tpu.memory_space<any>>
    %dma_wait3A_113 = tpu.memref_squeeze %dma_wait3A_112 : memref<1x1024x1024xf32, #tpu.memory_space<any>> -> memref<1024x1024xf32, #tpu.memory_space<any>>
    tpu.wait_dma2 semaphore(%dma_wait3A_105 : memref<!tpu.dma_semaphore, #tpu.memory_space<semaphore_mem>>) src(%dma_wait3A_113 : memref<1024x1024xf32, #tpu.memory_space<any>>) dst(%dma_wait3A_109 : memref<1024x1024xf32, #tpu.memory_space<vmem>>)
    %get3A_114 = arith.constant 0 : index
    %get3A_115 = arith.constant 0 : index
    %get3A_116 = arith.constant 0 : index
    %get3A_117 = vector.load %arg4[%get3A_114, %get3A_115, %get3A_116] : memref<7x1024x1024xf32, #tpu.memory_space<vmem>>, vector<1x1024x1024xf32>
    %get3A_118 = vector.shape_cast %get3A_117 : vector<1x1024x1024xf32> to vector<1024x1024xf32>
    %dot_general3A = arith.constant dense<0.000000e+00> : vector<1x1024xf32>
    %dot_general3A_119 = tpu.matmul %mul3A_101, %get3A_118, %dot_general3A {dimension_numbers = #tpu.dot_dimension_numbers<[1], [1], [0], [0], [0, 0, 1, 0], [], []>, transpose_lhs_hint = false} : vector<1x1024xf32>, vector<1024x1024xf32>, vector<1x1024xf32> -> vector<1x1024xf32>
    %slice3A_120 = vector.extract_strided_slice %scan3A_97 {offsets = [1, 0], sizes = [1, 1024], strides = [1, 1]} : vector<8x1024xf32> to vector<1x1024xf32>
    %get3A_121 = arith.constant 1 : index
    %get3A_122 = arith.constant 0 : index
    %get3A_123 = vector.load %arg1[%get3A_121, %get3A_122] : memref<8x1024xf32, #tpu.memory_space<vmem>>, vector<1x1024xf32>
    %add3A_124 = arith.addf %get3A_123, %dot_general3A_119 : vector<1x1024xf32>
    %mul3A_125 = arith.mulf %slice3A_120, %add3A_124 : vector<1x1024xf32>
    %dma_wait3A_126 = arith.constant 1 : i32
    %dma_wait3A_127 = arith.constant 1 : i32
    %dma_wait3A_128 = arith.constant 1 : i32
    %dma_wait3A_129 = tpu.memref_slice %arg5[%dma_wait3A_128] : memref<7x!tpu.dma_semaphore, #tpu.memory_space<semaphore_mem>> -> memref<1x!tpu.dma_semaphore, #tpu.memory_space<semaphore_mem>>
    %dma_wait3A_130 = tpu.memref_squeeze %dma_wait3A_129 : memref<1x!tpu.dma_semaphore, #tpu.memory_space<semaphore_mem>> -> memref<!tpu.dma_semaphore, #tpu.memory_space<semaphore_mem>>
    %dma_wait3A_131 = arith.constant 0 : i32
    %dma_wait3A_132 = arith.constant 0 : i32
    %dma_wait3A_133 = tpu.memref_slice %arg4[%dma_wait3A_127, %dma_wait3A_131, %dma_wait3A_132] : memref<7x1024x1024xf32, #tpu.memory_space<vmem>> -> memref<1x1024x1024xf32, #tpu.memory_space<vmem>>
    %dma_wait3A_134 = tpu.memref_squeeze %dma_wait3A_133 : memref<1x1024x1024xf32, #tpu.memory_space<vmem>> -> memref<1024x1024xf32, #tpu.memory_space<vmem>>
    %dma_wait3A_135 = arith.constant 0 : i32
    %dma_wait3A_136 = arith.constant 0 : i32
    %dma_wait3A_137 = tpu.memref_slice %arg2[%dma_wait3A_126, %dma_wait3A_135, %dma_wait3A_136] : memref<7x1024x1024xf32, #tpu.memory_space<any>> -> memref<1x1024x1024xf32, #tpu.memory_space<any>>
    %dma_wait3A_138 = tpu.memref_squeeze %dma_wait3A_137 : memref<1x1024x1024xf32, #tpu.memory_space<any>> -> memref<1024x1024xf32, #tpu.memory_space<any>>
    tpu.wait_dma2 semaphore(%dma_wait3A_130 : memref<!tpu.dma_semaphore, #tpu.memory_space<semaphore_mem>>) src(%dma_wait3A_138 : memref<1024x1024xf32, #tpu.memory_space<any>>) dst(%dma_wait3A_134 : memref<1024x1024xf32, #tpu.memory_space<vmem>>)
    %get3A_139 = arith.constant 1 : index
    %get3A_140 = arith.constant 0 : index
    %get3A_141 = arith.constant 0 : index
    %get3A_142 = vector.load %arg4[%get3A_139, %get3A_140, %get3A_141] : memref<7x1024x1024xf32, #tpu.memory_space<vmem>>, vector<1x1024x1024xf32>
    %get3A_143 = vector.shape_cast %get3A_142 : vector<1x1024x1024xf32> to vector<1024x1024xf32>
    %dot_general3A_144 = arith.constant dense<0.000000e+00> : vector<1x1024xf32>
    %dot_general3A_145 = tpu.matmul %mul3A_125, %get3A_143, %dot_general3A_144 {dimension_numbers = #tpu.dot_dimension_numbers<[1], [1], [0], [0], [0, 0, 1, 0], [], []>, transpose_lhs_hint = false} : vector<1x1024xf32>, vector<1024x1024xf32>, vector<1x1024xf32> -> vector<1x1024xf32>
    %slice3A_146 = vector.extract_strided_slice %scan3A_97 {offsets = [2, 0], sizes = [1, 1024], strides = [1, 1]} : vector<8x1024xf32> to vector<1x1024xf32>
    %get3A_147 = arith.constant 2 : index
    %get3A_148 = arith.constant 0 : index
    %get3A_149 = vector.load %arg1[%get3A_147, %get3A_148] : memref<8x1024xf32, #tpu.memory_space<vmem>>, vector<1x1024xf32>
    %add3A_150 = arith.addf %get3A_149, %dot_general3A_145 : vector<1x1024xf32>
    %mul3A_151 = arith.mulf %slice3A_146, %add3A_150 : vector<1x1024xf32>
    %dma_wait3A_152 = arith.constant 2 : i32
    %dma_wait3A_153 = arith.constant 2 : i32
    %dma_wait3A_154 = arith.constant 2 : i32
    %dma_wait3A_155 = tpu.memref_slice %arg5[%dma_wait3A_154] : memref<7x!tpu.dma_semaphore, #tpu.memory_space<semaphore_mem>> -> memref<1x!tpu.dma_semaphore, #tpu.memory_space<semaphore_mem>>
    %dma_wait3A_156 = tpu.memref_squeeze %dma_wait3A_155 : memref<1x!tpu.dma_semaphore, #tpu.memory_space<semaphore_mem>> -> memref<!tpu.dma_semaphore, #tpu.memory_space<semaphore_mem>>
    %dma_wait3A_157 = arith.constant 0 : i32
    %dma_wait3A_158 = arith.constant 0 : i32
    %dma_wait3A_159 = tpu.memref_slice %arg4[%dma_wait3A_153, %dma_wait3A_157, %dma_wait3A_158] : memref<7x1024x1024xf32, #tpu.memory_space<vmem>> -> memref<1x1024x1024xf32, #tpu.memory_space<vmem>>
    %dma_wait3A_160 = tpu.memref_squeeze %dma_wait3A_159 : memref<1x1024x1024xf32, #tpu.memory_space<vmem>> -> memref<1024x1024xf32, #tpu.memory_space<vmem>>
    %dma_wait3A_161 = arith.constant 0 : i32
    %dma_wait3A_162 = arith.constant 0 : i32
    %dma_wait3A_163 = tpu.memref_slice %arg2[%dma_wait3A_152, %dma_wait3A_161, %dma_wait3A_162] : memref<7x1024x1024xf32, #tpu.memory_space<any>> -> memref<1x1024x1024xf32, #tpu.memory_space<any>>
    %dma_wait3A_164 = tpu.memref_squeeze %dma_wait3A_163 : memref<1x1024x1024xf32, #tpu.memory_space<any>> -> memref<1024x1024xf32, #tpu.memory_space<any>>
    tpu.wait_dma2 semaphore(%dma_wait3A_156 : memref<!tpu.dma_semaphore, #tpu.memory_space<semaphore_mem>>) src(%dma_wait3A_164 : memref<1024x1024xf32, #tpu.memory_space<any>>) dst(%dma_wait3A_160 : memref<1024x1024xf32, #tpu.memory_space<vmem>>)
    %get3A_165 = arith.constant 2 : index
    %get3A_166 = arith.constant 0 : index
    %get3A_167 = arith.constant 0 : index
    %get3A_168 = vector.load %arg4[%get3A_165, %get3A_166, %get3A_167] : memref<7x1024x1024xf32, #tpu.memory_space<vmem>>, vector<1x1024x1024xf32>
    %get3A_169 = vector.shape_cast %get3A_168 : vector<1x1024x1024xf32> to vector<1024x1024xf32>
    %dot_general3A_170 = arith.constant dense<0.000000e+00> : vector<1x1024xf32>
    %dot_general3A_171 = tpu.matmul %mul3A_151, %get3A_169, %dot_general3A_170 {dimension_numbers = #tpu.dot_dimension_numbers<[1], [1], [0], [0], [0, 0, 1, 0], [], []>, transpose_lhs_hint = false} : vector<1x1024xf32>, vector<1024x1024xf32>, vector<1x1024xf32> -> vector<1x1024xf32>
    %slice3A_172 = vector.extract_strided_slice %scan3A_97 {offsets = [3, 0], sizes = [1, 1024], strides = [1, 1]} : vector<8x1024xf32> to vector<1x1024xf32>
    %get3A_173 = arith.constant 3 : index
    %get3A_174 = arith.constant 0 : index
    %get3A_175 = vector.load %arg1[%get3A_173, %get3A_174] : memref<8x1024xf32, #tpu.memory_space<vmem>>, vector<1x1024xf32>
    %add3A_176 = arith.addf %get3A_175, %dot_general3A_171 : vector<1x1024xf32>
    %mul3A_177 = arith.mulf %slice3A_172, %add3A_176 : vector<1x1024xf32>
    %dma_wait3A_178 = arith.constant 3 : i32
    %dma_wait3A_179 = arith.constant 3 : i32
    %dma_wait3A_180 = arith.constant 3 : i32
    %dma_wait3A_181 = tpu.memref_slice %arg5[%dma_wait3A_180] : memref<7x!tpu.dma_semaphore, #tpu.memory_space<semaphore_mem>> -> memref<1x!tpu.dma_semaphore, #tpu.memory_space<semaphore_mem>>
    %dma_wait3A_182 = tpu.memref_squeeze %dma_wait3A_181 : memref<1x!tpu.dma_semaphore, #tpu.memory_space<semaphore_mem>> -> memref<!tpu.dma_semaphore, #tpu.memory_space<semaphore_mem>>
    %dma_wait3A_183 = arith.constant 0 : i32
    %dma_wait3A_184 = arith.constant 0 : i32
    %dma_wait3A_185 = tpu.memref_slice %arg4[%dma_wait3A_179, %dma_wait3A_183, %dma_wait3A_184] : memref<7x1024x1024xf32, #tpu.memory_space<vmem>> -> memref<1x1024x1024xf32, #tpu.memory_space<vmem>>
    %dma_wait3A_186 = tpu.memref_squeeze %dma_wait3A_185 : memref<1x1024x1024xf32, #tpu.memory_space<vmem>> -> memref<1024x1024xf32, #tpu.memory_space<vmem>>
    %dma_wait3A_187 = arith.constant 0 : i32
    %dma_wait3A_188 = arith.constant 0 : i32
    %dma_wait3A_189 = tpu.memref_slice %arg2[%dma_wait3A_178, %dma_wait3A_187, %dma_wait3A_188] : memref<7x1024x1024xf32, #tpu.memory_space<any>> -> memref<1x1024x1024xf32, #tpu.memory_space<any>>
    %dma_wait3A_190 = tpu.memref_squeeze %dma_wait3A_189 : memref<1x1024x1024xf32, #tpu.memory_space<any>> -> memref<1024x1024xf32, #tpu.memory_space<any>>
    tpu.wait_dma2 semaphore(%dma_wait3A_182 : memref<!tpu.dma_semaphore, #tpu.memory_space<semaphore_mem>>) src(%dma_wait3A_190 : memref<1024x1024xf32, #tpu.memory_space<any>>) dst(%dma_wait3A_186 : memref<1024x1024xf32, #tpu.memory_space<vmem>>)
    %get3A_191 = arith.constant 3 : index
    %get3A_192 = arith.constant 0 : index
    %get3A_193 = arith.constant 0 : index
    %get3A_194 = vector.load %arg4[%get3A_191, %get3A_192, %get3A_193] : memref<7x1024x1024xf32, #tpu.memory_space<vmem>>, vector<1x1024x1024xf32>
    %get3A_195 = vector.shape_cast %get3A_194 : vector<1x1024x1024xf32> to vector<1024x1024xf32>
    %dot_general3A_196 = arith.constant dense<0.000000e+00> : vector<1x1024xf32>
    %dot_general3A_197 = tpu.matmul %mul3A_177, %get3A_195, %dot_general3A_196 {dimension_numbers = #tpu.dot_dimension_numbers<[1], [1], [0], [0], [0, 0, 1, 0], [], []>, transpose_lhs_hint = false} : vector<1x1024xf32>, vector<1024x1024xf32>, vector<1x1024xf32> -> vector<1x1024xf32>
    %slice3A_198 = vector.extract_strided_slice %scan3A_97 {offsets = [4, 0], sizes = [1, 1024], strides = [1, 1]} : vector<8x1024xf32> to vector<1x1024xf32>
    %get3A_199 = arith.constant 4 : index
    %get3A_200 = arith.constant 0 : index
    %get3A_201 = vector.load %arg1[%get3A_199, %get3A_200] : memref<8x1024xf32, #tpu.memory_space<vmem>>, vector<1x1024xf32>
    %add3A_202 = arith.addf %get3A_201, %dot_general3A_197 : vector<1x1024xf32>
    %mul3A_203 = arith.mulf %slice3A_198, %add3A_202 : vector<1x1024xf32>
    %dma_wait3A_204 = arith.constant 4 : i32
    %dma_wait3A_205 = arith.constant 4 : i32
    %dma_wait3A_206 = arith.constant 4 : i32
    %dma_wait3A_207 = tpu.memref_slice %arg5[%dma_wait3A_206] : memref<7x!tpu.dma_semaphore, #tpu.memory_space<semaphore_mem>> -> memref<1x!tpu.dma_semaphore, #tpu.memory_space<semaphore_mem>>
    %dma_wait3A_208 = tpu.memref_squeeze %dma_wait3A_207 : memref<1x!tpu.dma_semaphore, #tpu.memory_space<semaphore_mem>> -> memref<!tpu.dma_semaphore, #tpu.memory_space<semaphore_mem>>
    %dma_wait3A_209 = arith.constant 0 : i32
    %dma_wait3A_210 = arith.constant 0 : i32
    %dma_wait3A_211 = tpu.memref_slice %arg4[%dma_wait3A_205, %dma_wait3A_209, %dma_wait3A_210] : memref<7x1024x1024xf32, #tpu.memory_space<vmem>> -> memref<1x1024x1024xf32, #tpu.memory_space<vmem>>
    %dma_wait3A_212 = tpu.memref_squeeze %dma_wait3A_211 : memref<1x1024x1024xf32, #tpu.memory_space<vmem>> -> memref<1024x1024xf32, #tpu.memory_space<vmem>>
    %dma_wait3A_213 = arith.constant 0 : i32
    %dma_wait3A_214 = arith.constant 0 : i32
    %dma_wait3A_215 = tpu.memref_slice %arg2[%dma_wait3A_204, %dma_wait3A_213, %dma_wait3A_214] : memref<7x1024x1024xf32, #tpu.memory_space<any>> -> memref<1x1024x1024xf32, #tpu.memory_space<any>>
    %dma_wait3A_216 = tpu.memref_squeeze %dma_wait3A_215 : memref<1x1024x1024xf32, #tpu.memory_space<any>> -> memref<1024x1024xf32, #tpu.memory_space<any>>
    tpu.wait_dma2 semaphore(%dma_wait3A_208 : memref<!tpu.dma_semaphore, #tpu.memory_space<semaphore_mem>>) src(%dma_wait3A_216 : memref<1024x1024xf32, #tpu.memory_space<any>>) dst(%dma_wait3A_212 : memref<1024x1024xf32, #tpu.memory_space<vmem>>)
    %get3A_217 = arith.constant 4 : index
    %get3A_218 = arith.constant 0 : index
    %get3A_219 = arith.constant 0 : index
    %get3A_220 = vector.load %arg4[%get3A_217, %get3A_218, %get3A_219] : memref<7x1024x1024xf32, #tpu.memory_space<vmem>>, vector<1x1024x1024xf32>
    %get3A_221 = vector.shape_cast %get3A_220 : vector<1x1024x1024xf32> to vector<1024x1024xf32>
    %dot_general3A_222 = arith.constant dense<0.000000e+00> : vector<1x1024xf32>
    %dot_general3A_223 = tpu.matmul %mul3A_203, %get3A_221, %dot_general3A_222 {dimension_numbers = #tpu.dot_dimension_numbers<[1], [1], [0], [0], [0, 0, 1, 0], [], []>, transpose_lhs_hint = false} : vector<1x1024xf32>, vector<1024x1024xf32>, vector<1x1024xf32> -> vector<1x1024xf32>
    %slice3A_224 = vector.extract_strided_slice %scan3A_97 {offsets = [5, 0], sizes = [1, 1024], strides = [1, 1]} : vector<8x1024xf32> to vector<1x1024xf32>
    %get3A_225 = arith.constant 5 : index
    %get3A_226 = arith.constant 0 : index
    %get3A_227 = vector.load %arg1[%get3A_225, %get3A_226] : memref<8x1024xf32, #tpu.memory_space<vmem>>, vector<1x1024xf32>
    %add3A_228 = arith.addf %get3A_227, %dot_general3A_223 : vector<1x1024xf32>
    %mul3A_229 = arith.mulf %slice3A_224, %add3A_228 : vector<1x1024xf32>
    %dma_wait3A_230 = arith.constant 5 : i32
    %dma_wait3A_231 = arith.constant 5 : i32
    %dma_wait3A_232 = arith.constant 5 : i32
    %dma_wait3A_233 = tpu.memref_slice %arg5[%dma_wait3A_232] : memref<7x!tpu.dma_semaphore, #tpu.memory_space<semaphore_mem>> -> memref<1x!tpu.dma_semaphore, #tpu.memory_space<semaphore_mem>>
    %dma_wait3A_234 = tpu.memref_squeeze %dma_wait3A_233 : memref<1x!tpu.dma_semaphore, #tpu.memory_space<semaphore_mem>> -> memref<!tpu.dma_semaphore, #tpu.memory_space<semaphore_mem>>
    %dma_wait3A_235 = arith.constant 0 : i32
    %dma_wait3A_236 = arith.constant 0 : i32
    %dma_wait3A_237 = tpu.memref_slice %arg4[%dma_wait3A_231, %dma_wait3A_235, %dma_wait3A_236] : memref<7x1024x1024xf32, #tpu.memory_space<vmem>> -> memref<1x1024x1024xf32, #tpu.memory_space<vmem>>
    %dma_wait3A_238 = tpu.memref_squeeze %dma_wait3A_237 : memref<1x1024x1024xf32, #tpu.memory_space<vmem>> -> memref<1024x1024xf32, #tpu.memory_space<vmem>>
    %dma_wait3A_239 = arith.constant 0 : i32
    %dma_wait3A_240 = arith.constant 0 : i32
    %dma_wait3A_241 = tpu.memref_slice %arg2[%dma_wait3A_230, %dma_wait3A_239, %dma_wait3A_240] : memref<7x1024x1024xf32, #tpu.memory_space<any>> -> memref<1x1024x1024xf32, #tpu.memory_space<any>>
    %dma_wait3A_242 = tpu.memref_squeeze %dma_wait3A_241 : memref<1x1024x1024xf32, #tpu.memory_space<any>> -> memref<1024x1024xf32, #tpu.memory_space<any>>
    tpu.wait_dma2 semaphore(%dma_wait3A_234 : memref<!tpu.dma_semaphore, #tpu.memory_space<semaphore_mem>>) src(%dma_wait3A_242 : memref<1024x1024xf32, #tpu.memory_space<any>>) dst(%dma_wait3A_238 : memref<1024x1024xf32, #tpu.memory_space<vmem>>)
    %get3A_243 = arith.constant 5 : index
    %get3A_244 = arith.constant 0 : index
    %get3A_245 = arith.constant 0 : index
    %get3A_246 = vector.load %arg4[%get3A_243, %get3A_244, %get3A_245] : memref<7x1024x1024xf32, #tpu.memory_space<vmem>>, vector<1x1024x1024xf32>
    %get3A_247 = vector.shape_cast %get3A_246 : vector<1x1024x1024xf32> to vector<1024x1024xf32>
    %dot_general3A_248 = arith.constant dense<0.000000e+00> : vector<1x1024xf32>
    %dot_general3A_249 = tpu.matmul %mul3A_229, %get3A_247, %dot_general3A_248 {dimension_numbers = #tpu.dot_dimension_numbers<[1], [1], [0], [0], [0, 0, 1, 0], [], []>, transpose_lhs_hint = false} : vector<1x1024xf32>, vector<1024x1024xf32>, vector<1x1024xf32> -> vector<1x1024xf32>
    %slice3A_250 = vector.extract_strided_slice %scan3A_97 {offsets = [6, 0], sizes = [1, 1024], strides = [1, 1]} : vector<8x1024xf32> to vector<1x1024xf32>
    %get3A_251 = arith.constant 6 : index
    %get3A_252 = arith.constant 0 : index
    %get3A_253 = vector.load %arg1[%get3A_251, %get3A_252] : memref<8x1024xf32, #tpu.memory_space<vmem>>, vector<1x1024xf32>
    %add3A_254 = arith.addf %get3A_253, %dot_general3A_249 : vector<1x1024xf32>
    %mul3A_255 = arith.mulf %slice3A_250, %add3A_254 : vector<1x1024xf32>
    %dma_wait3A_256 = arith.constant 6 : i32
    %dma_wait3A_257 = arith.constant 6 : i32
    %dma_wait3A_258 = arith.constant 6 : i32
    %dma_wait3A_259 = tpu.memref_slice %arg5[%dma_wait3A_258] : memref<7x!tpu.dma_semaphore, #tpu.memory_space<semaphore_mem>> -> memref<1x!tpu.dma_semaphore, #tpu.memory_space<semaphore_mem>>
    %dma_wait3A_260 = tpu.memref_squeeze %dma_wait3A_259 : memref<1x!tpu.dma_semaphore, #tpu.memory_space<semaphore_mem>> -> memref<!tpu.dma_semaphore, #tpu.memory_space<semaphore_mem>>
    %dma_wait3A_261 = arith.constant 0 : i32
    %dma_wait3A_262 = arith.constant 0 : i32
    %dma_wait3A_263 = tpu.memref_slice %arg4[%dma_wait3A_257, %dma_wait3A_261, %dma_wait3A_262] : memref<7x1024x1024xf32, #tpu.memory_space<vmem>> -> memref<1x1024x1024xf32, #tpu.memory_space<vmem>>
    %dma_wait3A_264 = tpu.memref_squeeze %dma_wait3A_263 : memref<1x1024x1024xf32, #tpu.memory_space<vmem>> -> memref<1024x1024xf32, #tpu.memory_space<vmem>>
    %dma_wait3A_265 = arith.constant 0 : i32
    %dma_wait3A_266 = arith.constant 0 : i32
    %dma_wait3A_267 = tpu.memref_slice %arg2[%dma_wait3A_256, %dma_wait3A_265, %dma_wait3A_266] : memref<7x1024x1024xf32, #tpu.memory_space<any>> -> memref<1x1024x1024xf32, #tpu.memory_space<any>>
    %dma_wait3A_268 = tpu.memref_squeeze %dma_wait3A_267 : memref<1x1024x1024xf32, #tpu.memory_space<any>> -> memref<1024x1024xf32, #tpu.memory_space<any>>
    tpu.wait_dma2 semaphore(%dma_wait3A_260 : memref<!tpu.dma_semaphore, #tpu.memory_space<semaphore_mem>>) src(%dma_wait3A_268 : memref<1024x1024xf32, #tpu.memory_space<any>>) dst(%dma_wait3A_264 : memref<1024x1024xf32, #tpu.memory_space<vmem>>)
    %get3A_269 = arith.constant 6 : index
    %get3A_270 = arith.constant 0 : index
    %get3A_271 = arith.constant 0 : index
    %get3A_272 = vector.load %arg4[%get3A_269, %get3A_270, %get3A_271] : memref<7x1024x1024xf32, #tpu.memory_space<vmem>>, vector<1x1024x1024xf32>
    %get3A_273 = vector.shape_cast %get3A_272 : vector<1x1024x1024xf32> to vector<1024x1024xf32>
    %dot_general3A_274 = arith.constant dense<0.000000e+00> : vector<1x1024xf32>
    %dot_general3A_275 = tpu.matmul %mul3A_255, %get3A_273, %dot_general3A_274 {dimension_numbers = #tpu.dot_dimension_numbers<[1], [1], [0], [0], [0, 0, 1, 0], [], []>, transpose_lhs_hint = false} : vector<1x1024xf32>, vector<1024x1024xf32>, vector<1x1024xf32> -> vector<1x1024xf32>
    %slice3A_276 = vector.extract_strided_slice %scan3A_97 {offsets = [7, 0], sizes = [1, 1024], strides = [1, 1]} : vector<8x1024xf32> to vector<1x1024xf32>
    %get3A_277 = arith.constant 7 : index
    %get3A_278 = arith.constant 0 : index
    %get3A_279 = vector.load %arg1[%get3A_277, %get3A_278] : memref<8x1024xf32, #tpu.memory_space<vmem>>, vector<1x1024xf32>
    %add3A_280 = arith.addf %get3A_279, %dot_general3A_275 : vector<1x1024xf32>
    %mul3A_281 = arith.mulf %slice3A_276, %add3A_280 : vector<1x1024xf32>
    %broadcast_in_dim3A_282 = arith.constant 1.000000e+00 : f32
    %broadcast_in_dim3A_283 = vector.broadcast %broadcast_in_dim3A_282 : f32 to vector<1x1024xf32>
    %slice3A_284 = vector.extract_strided_slice %scan3A_97 {offsets = [7, 0], sizes = [1, 1024], strides = [1, 1]} : vector<8x1024xf32> to vector<1x1024xf32>
    %mul3A_285 = arith.mulf %slice3A_284, %broadcast_in_dim3A_283 : vector<1x1024xf32>
    %get3A_286 = arith.constant 6 : index
    %get3A_287 = arith.constant 0 : index
    %get3A_288 = arith.constant 0 : index
    %get3A_289 = vector.load %arg4[%get3A_286, %get3A_287, %get3A_288] : memref<7x1024x1024xf32, #tpu.memory_space<vmem>>, vector<1x1024x1024xf32>
    %get3A_290 = vector.shape_cast %get3A_289 : vector<1x1024x1024xf32> to vector<1024x1024xf32>
    %dot_general3A_291 = arith.constant dense<0.000000e+00> : vector<1x1024xf32>
    %dot_general3A_292 = tpu.matmul %mul3A_285, %get3A_290, %dot_general3A_291 {dimension_numbers = #tpu.dot_dimension_numbers<[1], [0], [0], [1], [0, 0, 1, 1], [], []>, transpose_lhs_hint = false} : vector<1x1024xf32>, vector<1024x1024xf32>, vector<1x1024xf32> -> vector<1x1024xf32>
    %add3A_293 = arith.constant 1.000000e+00 : f32
    %add3A_294 = vector.broadcast %add3A_293 : f32 to vector<1x1024xf32>
    %add3A_295 = arith.addf %add3A_294, %dot_general3A_292 : vector<1x1024xf32>
    %slice3A_296 = vector.extract_strided_slice %scan3A_97 {offsets = [6, 0], sizes = [1, 1024], strides = [1, 1]} : vector<8x1024xf32> to vector<1x1024xf32>
    %mul3A_297 = arith.mulf %slice3A_296, %add3A_295 : vector<1x1024xf32>
    %get3A_298 = arith.constant 5 : index
    %get3A_299 = arith.constant 0 : index
    %get3A_300 = arith.constant 0 : index
    %get3A_301 = vector.load %arg4[%get3A_298, %get3A_299, %get3A_300] : memref<7x1024x1024xf32, #tpu.memory_space<vmem>>, vector<1x1024x1024xf32>
    %get3A_302 = vector.shape_cast %get3A_301 : vector<1x1024x1024xf32> to vector<1024x1024xf32>
    %dot_general3A_303 = arith.constant dense<0.000000e+00> : vector<1x1024xf32>
    %dot_general3A_304 = tpu.matmul %mul3A_297, %get3A_302, %dot_general3A_303 {dimension_numbers = #tpu.dot_dimension_numbers<[1], [0], [0], [1], [0, 0, 1, 1], [], []>, transpose_lhs_hint = false} : vector<1x1024xf32>, vector<1024x1024xf32>, vector<1x1024xf32> -> vector<1x1024xf32>
    %add3A_305 = arith.constant 1.000000e+00 : f32
    %add3A_306 = vector.broadcast %add3A_305 : f32 to vector<1x1024xf32>
    %add3A_307 = arith.addf %add3A_306, %dot_general3A_304 : vector<1x1024xf32>
    %slice3A_308 = vector.extract_strided_slice %scan3A_97 {offsets = [5, 0], sizes = [1, 1024], strides = [1, 1]} : vector<8x1024xf32> to vector<1x1024xf32>
    %mul3A_309 = arith.mulf %slice3A_308, %add3A_307 : vector<1x1024xf32>
    %get3A_310 = arith.constant 4 : index
    %get3A_311 = arith.constant 0 : index
    %get3A_312 = arith.constant 0 : index
    %get3A_313 = vector.load %arg4[%get3A_310, %get3A_311, %get3A_312] : memref<7x1024x1024xf32, #tpu.memory_space<vmem>>, vector<1x1024x1024xf32>
    %get3A_314 = vector.shape_cast %get3A_313 : vector<1x1024x1024xf32> to vector<1024x1024xf32>
    %dot_general3A_315 = arith.constant dense<0.000000e+00> : vector<1x1024xf32>
    %dot_general3A_316 = tpu.matmul %mul3A_309, %get3A_314, %dot_general3A_315 {dimension_numbers = #tpu.dot_dimension_numbers<[1], [0], [0], [1], [0, 0, 1, 1], [], []>, transpose_lhs_hint = false} : vector<1x1024xf32>, vector<1024x1024xf32>, vector<1x1024xf32> -> vector<1x1024xf32>
    %add3A_317 = arith.constant 1.000000e+00 : f32
    %add3A_318 = vector.broadcast %add3A_317 : f32 to vector<1x1024xf32>
    %add3A_319 = arith.addf %add3A_318, %dot_general3A_316 : vector<1x1024xf32>
    %slice3A_320 = vector.extract_strided_slice %scan3A_97 {offsets = [4, 0], sizes = [1, 1024], strides = [1, 1]} : vector<8x1024xf32> to vector<1x1024xf32>
    %mul3A_321 = arith.mulf %slice3A_320, %add3A_319 : vector<1x1024xf32>
    %get3A_322 = arith.constant 3 : index
    %get3A_323 = arith.constant 0 : index
    %get3A_324 = arith.constant 0 : index
    %get3A_325 = vector.load %arg4[%get3A_322, %get3A_323, %get3A_324] : memref<7x1024x1024xf32, #tpu.memory_space<vmem>>, vector<1x1024x1024xf32>
    %get3A_326 = vector.shape_cast %get3A_325 : vector<1x1024x1024xf32> to vector<1024x1024xf32>
    %dot_general3A_327 = arith.constant dense<0.000000e+00> : vector<1x1024xf32>
    %dot_general3A_328 = tpu.matmul %mul3A_321, %get3A_326, %dot_general3A_327 {dimension_numbers = #tpu.dot_dimension_numbers<[1], [0], [0], [1], [0, 0, 1, 1], [], []>, transpose_lhs_hint = false} : vector<1x1024xf32>, vector<1024x1024xf32>, vector<1x1024xf32> -> vector<1x1024xf32>
    %add3A_329 = arith.constant 1.000000e+00 : f32
    %add3A_330 = vector.broadcast %add3A_329 : f32 to vector<1x1024xf32>
    %add3A_331 = arith.addf %add3A_330, %dot_general3A_328 : vector<1x1024xf32>
    %slice3A_332 = vector.extract_strided_slice %scan3A_97 {offsets = [3, 0], sizes = [1, 1024], strides = [1, 1]} : vector<8x1024xf32> to vector<1x1024xf32>
    %mul3A_333 = arith.mulf %slice3A_332, %add3A_331 : vector<1x1024xf32>
    %get3A_334 = arith.constant 2 : index
    %get3A_335 = arith.constant 0 : index
    %get3A_336 = arith.constant 0 : index
    %get3A_337 = vector.load %arg4[%get3A_334, %get3A_335, %get3A_336] : memref<7x1024x1024xf32, #tpu.memory_space<vmem>>, vector<1x1024x1024xf32>
    %get3A_338 = vector.shape_cast %get3A_337 : vector<1x1024x1024xf32> to vector<1024x1024xf32>
    %dot_general3A_339 = arith.constant dense<0.000000e+00> : vector<1x1024xf32>
    %dot_general3A_340 = tpu.matmul %mul3A_333, %get3A_338, %dot_general3A_339 {dimension_numbers = #tpu.dot_dimension_numbers<[1], [0], [0], [1], [0, 0, 1, 1], [], []>, transpose_lhs_hint = false} : vector<1x1024xf32>, vector<1024x1024xf32>, vector<1x1024xf32> -> vector<1x1024xf32>
    %add3A_341 = arith.constant 1.000000e+00 : f32
    %add3A_342 = vector.broadcast %add3A_341 : f32 to vector<1x1024xf32>
    %add3A_343 = arith.addf %add3A_342, %dot_general3A_340 : vector<1x1024xf32>
    %slice3A_344 = vector.extract_strided_slice %scan3A_97 {offsets = [2, 0], sizes = [1, 1024], strides = [1, 1]} : vector<8x1024xf32> to vector<1x1024xf32>
    %mul3A_345 = arith.mulf %slice3A_344, %add3A_343 : vector<1x1024xf32>
    %get3A_346 = arith.constant 1 : index
    %get3A_347 = arith.constant 0 : index
    %get3A_348 = arith.constant 0 : index
    %get3A_349 = vector.load %arg4[%get3A_346, %get3A_347, %get3A_348] : memref<7x1024x1024xf32, #tpu.memory_space<vmem>>, vector<1x1024x1024xf32>
    %get3A_350 = vector.shape_cast %get3A_349 : vector<1x1024x1024xf32> to vector<1024x1024xf32>
    %dot_general3A_351 = arith.constant dense<0.000000e+00> : vector<1x1024xf32>
    %dot_general3A_352 = tpu.matmul %mul3A_345, %get3A_350, %dot_general3A_351 {dimension_numbers = #tpu.dot_dimension_numbers<[1], [0], [0], [1], [0, 0, 1, 1], [], []>, transpose_lhs_hint = false} : vector<1x1024xf32>, vector<1024x1024xf32>, vector<1x1024xf32> -> vector<1x1024xf32>
    %add3A_353 = arith.constant 1.000000e+00 : f32
    %add3A_354 = vector.broadcast %add3A_353 : f32 to vector<1x1024xf32>
    %add3A_355 = arith.addf %add3A_354, %dot_general3A_352 : vector<1x1024xf32>
    %slice3A_356 = vector.extract_strided_slice %scan3A_97 {offsets = [1, 0], sizes = [1, 1024], strides = [1, 1]} : vector<8x1024xf32> to vector<1x1024xf32>
    %mul3A_357 = arith.mulf %slice3A_356, %add3A_355 : vector<1x1024xf32>
    %get3A_358 = arith.constant 0 : index
    %get3A_359 = arith.constant 0 : index
    %get3A_360 = arith.constant 0 : index
    %get3A_361 = vector.load %arg4[%get3A_358, %get3A_359, %get3A_360] : memref<7x1024x1024xf32, #tpu.memory_space<vmem>>, vector<1x1024x1024xf32>
    %get3A_362 = vector.shape_cast %get3A_361 : vector<1x1024x1024xf32> to vector<1024x1024xf32>
    %dot_general3A_363 = arith.constant dense<0.000000e+00> : vector<1x1024xf32>
    %dot_general3A_364 = tpu.matmul %mul3A_357, %get3A_362, %dot_general3A_363 {dimension_numbers = #tpu.dot_dimension_numbers<[1], [0], [0], [1], [0, 0, 1, 1], [], []>, transpose_lhs_hint = false} : vector<1x1024xf32>, vector<1024x1024xf32>, vector<1x1024xf32> -> vector<1x1024xf32>
    %add3A_365 = arith.constant 1.000000e+00 : f32
    %add3A_366 = vector.broadcast %add3A_365 : f32 to vector<1x1024xf32>
    %add3A_367 = arith.addf %add3A_366, %dot_general3A_364 : vector<1x1024xf32>
    %concatenate3A = tpu.concatenate %mul3A_101, %mul3A_125, %mul3A_151, %mul3A_177, %mul3A_203, %mul3A_229, %mul3A_255, %mul3A_281 in 0 : vector<1x1024xf32>, vector<1x1024xf32>, vector<1x1024xf32>, vector<1x1024xf32>, vector<1x1024xf32>, vector<1x1024xf32>, vector<1x1024xf32>, vector<1x1024xf32> -> vector<8x1024xf32>
    %concatenate3A_368 = tpu.concatenate %add3A_367, %add3A_355, %add3A_343, %add3A_331, %add3A_319, %add3A_307, %add3A_295, %broadcast_in_dim3A_283 in 0 : vector<1x1024xf32>, vector<1x1024xf32>, vector<1x1024xf32>, vector<1x1024xf32>, vector<1x1024xf32>, vector<1x1024xf32>, vector<1x1024xf32>, vector<1x1024xf32> -> vector<8x1024xf32>
    %reduce_sum3A = vector.shape_cast %concatenate3A : vector<8x1024xf32> to vector<1x8x1024xf32>
    %reduce_sum3A_369 = arith.constant dense<0.000000e+00> : vector<1xf32>
    %reduce_sum3A_370 = vector.multi_reduction <add>, %reduce_sum3A, %reduce_sum3A_369 [1, 2] : vector<1x8x1024xf32> to vector<1xf32>
    %reduce_sum3A_371 = vector.shape_cast %reduce_sum3A_370 : vector<1xf32> to vector<1x1x1xf32>
    %reduce_sum3A_372 = vector.extract %reduce_sum3A_371[0, 0, 0] : f32 from vector<1x1x1xf32>
    %mul3A_373 = arith.mulf %concatenate3A, %concatenate3A_368 : vector<8x1024xf32>
    %sub3A = vector.broadcast %reduce_sum3A_372 : f32 to vector<8x1024xf32>
    %sub3A_374 = arith.subf %sub3A, %mul3A_373 : vector<8x1024xf32>
    %swap3A = arith.constant 0 : index
    %swap3A_375 = arith.constant 0 : index
    %swap3A_376 = vector.load %arg3[%swap3A, %swap3A_375] : memref<8x1024xf32, #tpu.memory_space<vmem>>, vector<8x1024xf32>
    tpu.vector_store %arg3[%swap3A, %swap3A_375], %sub3A_374 {strides = array<i32>} : memref<8x1024xf32, #tpu.memory_space<vmem>>, vector<8x1024xf32>,
    return
  }
}

</mosaic_0001>

<sc_bundles>
// kernel: kernel.4.cloned.1.call-start
scs
__scs_entry_jumppad:
0x0: {  	(pc) =	sbr.rel $0x88, $3  }
0x1: {  	(tag) =	ssettag $0x0;
	lr =	simm.s32 $0x1  }
0x2: {  	[smem:$0x3F9D] =	sst lr;
	_ =	strace $0xD0000000  }
0x3: {  	_ = 	snop  }
0x4: {  	_ = 	snop  }
0x5: {  	_ = 	snop  }
0x6: {  	_ = 	snop  }
0x7: {  	_ = 	snop  }
__scs_overlays_trampoline_lowered:
0x8: {  	[smem:$0x3FAC] =	sst s0  }
0x9: {  	[smem:$0x3FAD] =	sst s1  }
0xa: {  	[smem:$0x3FAE] =	sst s2  }
0xb: {  	[smem:$0x3FAF] =	sst s3  }
0xc: {  	[smem:$0x3FB0] =	sst s4  }
0xd: {  	[smem:$0x3FB1] =	sst s5  }
0xe: {  	[smem:$0x3FB2] =	sst s6  }
0xf: {  	[smem:$0x3FB3] =	sst s7  }
0x10: {  	[smem:$0x3FB4] =	sst s8  }
0x11: {  	[smem:$0x3FB5] =	sst s9;
	s0 =	simm.s32 @!p0 $0x0  }
0x12: {  	s1 =	sld [smem:$0x3F9B];
	s0 =	simm.s32 @p0 $0x1  }
0x13: {  	[smem:$0x3FB6] =	sst s0;
	s0 =	simm.s32 @!p1 $0x0  }
0x14: {  	s2 =	sld [smem:$0x3F9A];
	s0 =	simm.s32 @p1 $0x1  }
0x15: {  	[smem:$0x3FB7] =	sst s0;
	s0 =	simm.s32 @!p2 $0x0  }
0x16: {  	s3 =	sld [smem:$0x3FDB];
	s0 =	simm.s32 @p2 $0x1  }
0x17: {  	s4 =	simm.s32 $0x1BF5;
	[smem:$0x3FB9] =	sst s0  }
0x18: {  	s0 =	sld [smem:$0x3F9C];
	_ =	swait.ge [sflag:s4], $0x0  }
0x19: {  	s7 =	sld [smem:$0x3F9D]  }
0x1a: {  	s8 =	sadd.s32 $0xFFFFE003, lr  }
0x1b: {  	s9 =	sadd.s32 $0xFFFFFEF7, lr;
	s5 =	simm.s32 $0xFFFFFFFF;
	p2 =	slt.u32 s8, $0xFFFFF086  }
0x1c: {  	p1 =	slt.u32 s9, $0xF7A;
	s5 =	simm.s32 @!p2 $0x0  }
0x1d: {  	s5 =	simm.s32 @p1 $0x1;
	p0 =	seq.s32 s7, s2  }
0x1e: {  	s7 =	smul.u32 @!p0 $0xF7A, s2;
	p2 =	seq.s32 @!p0 s5, $0x0  }
0x1f: {  	s9 =	smul.u32 $0xF7A, s1;
	s8 =	simm.s32 @!p0 $0x1BF5;
	p2 =	por !p2, p0  }
0x20: {  	[sflag:s8] =	ssyncset.s32 @!p0 $0xFFFFF086;
	s6 =	sadd.s32 @!p0 s3, s7;
	s7 =	simm.s32 @!p0 $0x108  }
0x21: {  	s3 =	sadd.s32 s3, s9;
	s6 =	sadd.s32 @!p0 $0x88, s6;
	s7 =	simm.s32 @p2 $0x1082  }
0x22: {  	[simem:s7], [sflag:s8] =	dma.local @!p0 [hbm:s6], $0xF7A  }
0x23: {  	s9 =	sor.u32 $0xD0000000, s2;
	s6 =	simm.s32 $0x108;
	_ =	swait.ge @!p0 [sflag:s8], $0x0  }
0x24: {  	s3 =	sadd.s32 $0x88, s3;
	s6 =	simm.s32 @!p1 $0x1082;
	[sflag:s4] =	ssyncset.s32 $0xFFFFF086  }
0x25: {  	[simem:s6], [sflag:s4] =	dma.local [hbm:s3], $0xF7A  }
0x26: {  	[smem:$0x3F9D] =	sst s1;
	(tag) =	ssettag s2;
	_ =	strace s9  }
0x27: {  	s1 =	sld [smem:$0x3FAD]  }
0x28: {  	s2 =	sld [smem:$0x3FAE]  }
0x29: {  	s4 =	sld [smem:$0x3FB0]  }
0x2a: {  	p0 =	seq.s32 s5, $0x0;
	s5 =	sld [smem:$0x3FB1]  }
0x2b: {  	s6 =	sld [smem:$0x3FB2]  }
0x2c: {  	s7 =	sld [smem:$0x3FB3]  }
0x2d: {  	s3 =	simm.s32 $0x108;
	s8 =	sld [smem:$0x3FB4]  }
0x2e: {  	s3 =	simm.s32 @!p0 $0x1082;
	s9 =	sld [smem:$0x3FB5]  }
0x2f: {  	lr =	sadd.s32 s0, s3;
	s0 =	sld [smem:$0x3FAC]  }
0x30: {  	s3 =	sld [smem:$0x3FAF]  }
0x31: {  	[smem:$0x3FB8] =	sst s10  }
0x32: {  	s10 =	sld [smem:$0x3FB6];
	_ =	sdelay $0x3  }
0x33: {  	p0 =	seq.s32 s10, $0x1;
	s10 =	sld [smem:$0x3FB8];
	_ =	sdelay $0x3  }
0x34: {  	[smem:$0x3FB8] =	sst s10  }
0x35: {  	s10 =	sld [smem:$0x3FB7];
	_ =	sdelay $0x3  }
0x36: {  	p1 =	seq.s32 s10, $0x1;
	s10 =	sld [smem:$0x3FB8];
	_ =	sdelay $0x3  }
0x37: {  	[smem:$0x3FB8] =	sst s10  }
0x38: {  	s10 =	sld [smem:$0x3FB9]  }
0x39: {  	_ = 	snop;
	(pc) =	sbr.ind lr, $3  }
0x3a: {  	_ = 	snop  }
0x3b: {  	_ = 	snop  }
0x3c: {  	p2 =	seq.s32 s10, $0x1;
	s10 =	sld [smem:$0x3FB8]  }
0x3d: {  	_ =	shalt  }
0x3e: {  	_ =	shalt  }
0x3f: {  	_ =	shalt  }
0x40: {  	_ =	shalt  }
0x41: {  	_ =	shalt  }
0x42: {  	_ =	shalt  }
0x43: {  	_ =	shalt  }
0x44: {  	_ =	shalt  }
0x45: {  	_ =	shalt  }
0x46: {  	_ =	shalt  }
0x47: {  	_ =	shalt  }
0x48: {  	_ =	shalt  }
0x49: {  	_ =	shalt  }
0x4a: {  	_ =	shalt  }
0x4b: {  	_ =	shalt  }
0x4c: {  	_ =	shalt  }
0x4d: {  	_ =	shalt  }
0x4e: {  	_ =	shalt  }
0x4f: {  	_ =	shalt  }
0x50: {  	_ =	shalt  }
0x51: {  	_ =	shalt  }
0x52: {  	_ =	shalt  }
0x53: {  	_ =	shalt  }
0x54: {  	_ =	shalt  }
0x55: {  	_ =	shalt  }
0x56: {  	_ =	shalt  }
0x57: {  	_ =	shalt  }
0x58: {  	_ =	shalt  }
0x59: {  	_ =	shalt  }
0x5a: {  	_ =	shalt  }
0x5b: {  	_ =	shalt  }
0x5c: {  	_ =	shalt  }
0x5d: {  	_ =	shalt  }
0x5e: {  	_ =	shalt  }
0x5f: {  	_ =	shalt  }
0x60: {  	_ =	shalt  }
0x61: {  	_ =	shalt  }
0x62: {  	_ =	shalt  }
0x63: {  	_ =	shalt  }
0x64: {  	_ =	shalt  }
0x65: {  	_ =	shalt  }
0x66: {  	_ =	shalt  }
0x67: {  	_ =	shalt  }
0x68: {  	_ =	shalt  }
0x69: {  	_ =	shalt  }
0x6a: {  	_ =	shalt  }
0x6b: {  	_ =	shalt  }
0x6c: {  	_ =	shalt  }
0x6d: {  	_ =	shalt  }
0x6e: {  	_ =	shalt  }
0x6f: {  	_ =	shalt  }
0x70: {  	_ =	shalt  }
0x71: {  	_ =	shalt  }
0x72: {  	_ =	shalt  }
0x73: {  	_ =	shalt  }
0x74: {  	_ =	shalt  }
0x75: {  	_ =	shalt  }
0x76: {  	_ =	shalt  }
0x77: {  	_ =	shalt  }
0x78: {  	_ =	shalt  }
0x79: {  	_ =	shalt  }
0x7a: {  	_ =	shalt  }
0x7b: {  	_ =	shalt  }
0x7c: {  	_ =	shalt  }
0x7d: {  	_ =	shalt  }
0x7e: {  	_ =	shalt  }
0x7f: {  	_ =	shalt  }
0x80: {  	_ =	shalt  }
0x81: {  	_ =	shalt  }
0x82: {  	_ =	shalt  }
0x83: {  	_ =	shalt  }
0x84: {  	_ =	shalt  }
0x85: {  	_ =	shalt  }
0x86: {  	_ =	shalt  }
0x87: {  	_ =	shalt  }
.Lfunc_end0:
.L_simem_size_0:
called_computation_lowered:
.L_overlay_start_0:
0x88: {  	s2 =	sld [smem:$0x3FD9]  }
0x89: {  	s3 =	sld [smem:$0x3FFE];
	_ =	sdelay $0x1  }
0x8a: {  	s1 =	srdreg.scid  }
0x8b: {  	s0 =	sand.u32 $0x1, s1  }
0x8c: {  	s17 =	sshll.u32 s0, $0xA;
	s2 =	sadd.s32 s3, s2  }
0x8d: {  	s2 =	sadd.s32 s2, s17  }
0x8e: {  	[smem:$0x3FC4] =	sst s2  }
0x8f: {  	_ = 	snop  }
0x90: {  	s2 =	sld [smem:$0x3FD0];
	(tm) =	ssettm $0x1  }
0x91: {  	s18 =	sld [smem:$0x3FFB];
	_ =	sdelay $0x3  }
0x92: {  	_ =	strace s18  }
0x93: {  	s3 =	sld [smem:$0x3FFC];
	_ =	sdelay $0x3  }
0x94: {  	_ =	strace s3  }
0x95: {  	s3 =	sld [smem:$0x3FFD];
	_ =	sdelay $0x3  }
0x96: {  	_ =	strace s3  }
0x97: {  	_ =	strace $0x8FFFFFFF  }
0x98: {  	s19 =	sld [smem:$0x3FDB];
	_ =	sdelay $0x1  }
0x99: {  	s4 =	simm.s32 $_scs_section_size  }
0x9a: {  	s5 =	simm.s32 $_size__tile_overlayer_lowered;
	s6 =	simm.s32 $_tile_overlayer_lowered  }
0x9b: {  	s22 =	simm.s32 $0x1BFF;
	s21 =	sshll.u32 s6, $0x1;
	s3 =	sadd.s32 s4, s19  }
0x9c: {  	s7 =	simm.s32 $0x0;
	s20 =	sshll.u32 s5, $0x1;
	s5 =	sadd.s32 s21, s3  }
0x9d: {  	[timem:s7], [sflag:s22] =	dma.local [hbm:s5], s20  }
0x9e: {  	_ =	swait.ge [sflag:s22], s20  }
0x9f: {  	s4 =	ssub.s32 $0x0, s20;
	[sflag:s22] =	ssyncset.done $0x0  }
0xa0: {  	[sflag:s22] =	ssyncadd.s32 s4;
	_ =	sdelay $0x1  }
0xa1: {  	s23 =	simm.s32 $0x1B8B  }
0xa2: {  	_ =	swait.ge [sflag:s23], $0x1  }
0xa3: {  	[sflag:s23] =	ssyncset.done $0x0  }
0xa4: {  	s25 =	simm.s32 $0x1B8E;
	s24 =	sld [smem:$0x3FFE];
	[sflag:s23] =	ssyncadd.s32 $0xFFFFFFFF  }
0xa5: {  	s26 =	simm.s32 $execute0_lowered;
	[smem:$0x3FD2] =	sst s25  }
0xa6: {  	s5 =	sshll.u32 s26, $0x1;
	_ =	strace $0x80000046;
	[dreg:$0x1] =	wrdreg $0xFFFFFFFF  }
0xa7: {  	s28 =	simm.s32 $_size_execute0_lowered;
	s3 =	sadd.s32 s3, s5;
	[dreg:$0x0] =	wrdreg $0x0  }
0xa8: {  	s5 =	sshll.u32 s28, $0x1;
	[dreg:$0x2] =	wrdreg s3  }
0xa9: {  	[dreg:$0x3] =	wrdreg s5  }
0xaa: {  	[dreg:$0x4] =	wrdreg $0xC0  }
0xab: {  	_ =	task [dreg:s7], $0x5FFFF  }
0xac: {  	[dreg:$0x1] =	wrdreg $0xFFFFFFFF  }
0xad: {  	[dreg:$0x0] =	wrdreg $0x60  }
0xae: {  	[dreg:$0x2] =	wrdreg s24  }
0xaf: {  	[dreg:$0x3] =	wrdreg s2  }
0xb0: {  	[dreg:$0x4] =	wrdreg $0x9  }
0xb1: {  	_ =	task.clear_ibuf [dreg:s7], $0x5FFFF;
	_ =	strace $0x90000046  }
0xb2: {  	s29 =	simm.s32 $0x9;
	_ =	strace $0x80000048  }
0xb3: {  	_ =	swait.ge [sflag:s29], $0x1  }
0xb4: {  	[sflag:s29] =	ssyncadd.s32 $0xFFFFFFFF  }
0xb5: {  	_ =	strace $0x90000048  }
0xb6: {  	_ =	sfence  }
0xb7: {  	s30 =	sld [smem:$0x0];
	_ =	sdelay $0x2  }
0xb8: {  	s31 =	sshll.u32 s1, $0xD;
	s1 =	sshrl.u32 s1, $0x2  }
0xb9: {  	s3 =	sand.u32 $0x4000, s31;
	s1 =	sadd.s32 s1, s30  }
0xba: {  	s0 =	sor.u32 s3, s0;
	s1 =	sshll.u32 s1, $0x11  }
0xbb: {  	s0 =	sor.u32 s1, s0  }
0xbc: {  	s0 =	sadd.s32 $0x8F2B, s0  }
0xbd: {  	[sflag:s0] =	ssyncadd.remote.s32 $0x1  }
0xbe: {  	_ =	sfence.sel $0xFFFF  }
0xbf: {  	[dreg:$0x0] =	wrdreg $0xFFFFFFFF;
	(pc) =	sbr.abs _section_cstart, $3  }
0xc0: {  	[dreg:$0x1] =	wrdreg $0xFFFFFFFF  }
0xc1: {  	_ =	task.clear_ibuf [dreg:s7], $0x2FFFF;
	_ =	strace $0x9FFFFFFF  }
0xc2: {  	(tm) =	ssettm $0x7FFFFFFF  }
0xc3: {  	_ =	shalt  }
tec
execute0_lowered:
.L_overlay_start_1:
0x0: {  	(tag) =	ssettag $0x1  }
0x1: {  	s1 =	srdreg.scid;
	s5 =	rddreg [dreg:$0x0]  }
0x2: {  	s0 =	stileid.u32;
	s9 =	rddreg [dreg:$0x1];
	s6 =	sand.u32 $0x1, s1  }
0x3: {  	s2 =	simm.s32 $0x0;
	s3 =	sshll.u32 s0, $0x3;
	s4 =	sshll.u32 s6, $0x2  }
0x4: {  	s7 =	simm.s32 $0x80;
	[smem:$0x7FF] =	sst s2;
	s10 =	sor.u32 s4, s3  }
0x5: {  	s1 =	rddreg [dreg:$0x2];
	_ =	strace $0x80000047;
	s3 =	sadd.s32 s10, s5  }
0x6: {  	s11 =	ssub.s32 $0x2, s6;
	s4 =	sadd.s32 $0xC00, s3;
	s3 =	simm.s32 $0x2  }
0x7: {  	[tilespmem:s2], [sflag:$0x2] =	stream.linear.gather [hbm4b:s4+s2], $0x20, $0x38;
	[tilespmem:$0x100] =	vst v63  }
0x8: {  	s8 =	simm.s32 $0x1;
	s12 =	sshrl.u32 s11, $0x1;
	_ =	swait.ge [sflag:s3], $0x20  }
0x9: {  	s6 =	simm.s32 $0x20;
	s11 =	ssub.s32 s11, s12;
	[sflag:s3] =	ssyncset.done $0x0  }
0xa: {  	s5 =	sadd.s32 $0x800, s5;
	s31 =	smax.u32 s11, $0x1;
	[sflag:s3] =	ssyncadd.s32 $0xFFFFFFE0  }
0xb: {  	[tilespmem:s7], [sflag:$0x1] =	stream.indirect.gather [hbm4b:s5+s6], $0x1, s2, s6, $0xb8;
	[tilespmem:$0x100] =	vst v63  }
0xc: {  	p0 =	sne.s32 s31, $0x1;
	_ =	swait.ge [sflag:s8], $0x20  }
.Ltmp0:
0xd: {  	[sflag:s8] =	ssyncset.done $0x0;
	(pc) =	sbr.rel @!p0 .LBB2_2-.Ltmp0, $4  }
0xe: {  	s9 =	sadd.s32 s9, s10;
	[sflag:s8] =	ssyncadd.s32 $0xFFFFFFE0  }
0xf: {  	[hbm4b:s9+s2] =	stream.linear.scatter [tilespmem:s7], [sflag:$0x2], $0x20, $0x38;
	[tilespmem:$0x100] =	vst v63  }
0x10: {  	_ =	swait.ge [sflag:s3], $0x20  }
0x11: {  	s10 =	sadd.s32 $0xFFFFFFFF, s31;
	[sflag:s3] =	ssyncset.done $0x0  }
.LBB2_1:
0x12: {  	p0 =	sne.s32 s10, $0x1;
	s10 =	sadd.s32 $0xFFFFFFFF, s10;
	[sflag:s3] =	ssyncadd.s32 $0xFFFFFFE0  }
0x13: {  	[tilespmem:s2], [sflag:$0x2] =	stream.linear.gather [hbm4b:s4+s2], $0x20, $0x38;
	[tilespmem:$0x100] =	vst v63  }
0x14: {  	_ =	swait.ge [sflag:s3], $0x20  }
0x15: {  	[sflag:s3] =	ssyncset.done $0x0  }
0x16: {  	[sflag:s3] =	ssyncadd.s32 $0xFFFFFFE0  }
0x17: {  	[tilespmem:s7], [sflag:$0x1] =	stream.indirect.gather [hbm4b:s5+s6], $0x1, s2, s6, $0xb8;
	[tilespmem:$0x100] =	vst v63  }
0x18: {  	_ =	swait.ge [sflag:s8], $0x20  }
.Ltmp1:
0x19: {  	[sflag:s8] =	ssyncset.done $0x0;
	(pc) =	sbr.rel @p0 .LBB2_1-.Ltmp1, $4  }
0x1a: {  	[sflag:s8] =	ssyncadd.s32 $0xFFFFFFE0  }
0x1b: {  	[hbm4b:s9+s2] =	stream.linear.scatter [tilespmem:s7], [sflag:$0x2], $0x20, $0x38;
	[tilespmem:$0x100] =	vst v63  }
0x1c: {  	_ =	swait.ge [sflag:s3], $0x20  }
0x1d: {  	[sflag:s3] =	ssyncset.done $0x0  }
.LBB2_2:
0x1e: {  	[sflag:s3] =	ssyncadd.s32 $0xFFFFFFE0  }
0x1f: {  	_ =	sfence.sel $0x180000  }
0x20: {  	[bflag:$0x0] =	sbarrier.arrive $0xFFFF  }
0x21: {  	p0 =	sne.s32 s0, $0x0;
	_ =	strace $0x90000047  }
0x22: {  	s0 =	sadd.s32 @!p0 $0x100000, s1;
	[bflag:$0x2] =	sbarrier.arrive $0xFFFF  }
0x23: {  	[sflag:s0] =	ssyncadd.tile.s32 @!p0 $0x1;
	_ =	shalt  }
.Lfunc_end2:
_tile_overlayer_lowered:
.L_overlay_start_2:
0x24: {  	(tag) =	ssettag $0x2  }
0x25: {  	s0 =	rddreg [dreg:$0x0];
	s2 =	stileid.u32  }
0x26: {  	s1 =	rddreg [dreg:$0x1];
	p0 =	sne.s32 s2, $0x0  }
0x27: {  	s3 =	rddreg [dreg:$0x2];
	[bflag:$0x3] =	sbarrier.arrive $0xFFFF;
	s2 =	simm.s32 @!p0 $0x1C02  }
0x28: {  	[timem:s3], [sflag:s2] =	dma.local @!p0 [hbm:s0], s1  }
0x29: {  	s0 =	simm.s32 @!p0 $0x2  }
0x2a: {  	_ =	swait.ge @!p0 [sflag:s0], s1  }
0x2b: {  	s1 =	ssub.s32 @!p0 $0x0, s1;
	[sflag:s0] =	ssyncset.done @!p0 $0x0  }
0x2c: {  	[sflag:s0] =	ssyncadd.s32 @!p0 s1  }
0x2d: {  	[bflag:$0x3] =	sbarrier.arrive $0xFFFF  }
0x2e: {  	_ =	shalt  }

</sc_bundles>
